<compile_context>
chip_gen: v7x
topology: tpu7x:2x2x1
jax: 0.10.2.dev20260603
libtpu: 0.0.44.dev20260713+nightly
codegen_flags: <defaults>
</compile_context>

<pallas_src>
import functools

import jax
import jax.numpy as jnp
from jax import lax
from jax.experimental import pallas as pl
from jax.experimental.pallas import tpu as pltpu
from jax.experimental.pallas import tpu_sc as plsc

BATCH = 16384
HIST = 50
DIM = 64
_G = 64
_INV_HIST = 1.0 / HIST


def _sc_gather_kernel(item_hbm, shop_hbm, user_hbm, iid_hbm, sid_hbm, uid_hbm,
                      hist_out, urow_out,
                      idx_i, idx_s, uidx, rows, urows, stage, sem, usem):
    info = plsc.get_sparse_core_info()
    nc = info.num_cores
    wid = lax.axis_index("s") * nc + lax.axis_index("c")
    nw = nc * info.num_subcores
    b_per_w = BATCH // nw
    groups = b_per_w // _G
    b0 = wid * b_per_w

    def accum_rows(_):
        z = jnp.zeros((16,), jnp.float32)

        def body(h, accs):
            a0, a1, a2, a3 = accs
            return (a0 + rows[h, pl.ds(0, 16)],
                    a1 + rows[h, pl.ds(16, 16)],
                    a2 + rows[h, pl.ds(32, 16)],
                    a3 + rows[h, pl.ds(48, 16)])

        return lax.fori_loop(0, HIST, body, (z, z, z, z))

    def group(g, _):
        base = b0 + g * _G
        pltpu.sync_copy(iid_hbm.at[pl.ds(base, _G), :], idx_i)
        pltpu.sync_copy(sid_hbm.at[pl.ds(base, _G), :], idx_s)
        pltpu.sync_copy(uid_hbm.at[pl.ds(base, _G)], uidx)

        def sample(i, _):
            pltpu.async_copy(item_hbm.at[idx_i.at[i]], rows, sem).wait()
            a0, a1, a2, a3 = accum_rows(None)
            stage[i, pl.ds(0, 16)] = a0 * _INV_HIST
            stage[i, pl.ds(16, 16)] = a1 * _INV_HIST
            stage[i, pl.ds(32, 16)] = a2 * _INV_HIST
            stage[i, pl.ds(48, 16)] = a3 * _INV_HIST
            pltpu.async_copy(shop_hbm.at[idx_s.at[i]], rows, sem).wait()
            a0, a1, a2, a3 = accum_rows(None)
            stage[i, pl.ds(64, 16)] = a0 * _INV_HIST
            stage[i, pl.ds(80, 16)] = a1 * _INV_HIST
            stage[i, pl.ds(96, 16)] = a2 * _INV_HIST
            stage[i, pl.ds(112, 16)] = a3 * _INV_HIST
            return 0

        lax.fori_loop(0, _G, sample, 0)
        pltpu.async_copy(user_hbm.at[uidx], urows, usem).wait()
        pltpu.sync_copy(stage, hist_out.at[pl.ds(base, _G), :])
        pltpu.sync_copy(urows, urow_out.at[pl.ds(base, _G), :])
        return 0

    lax.fori_loop(0, groups, group, 0)


def _sc_gather(item_table, shop_table, user_table, item_ids, shop_ids, user_ids):
    mesh = plsc.VectorSubcoreMesh(core_axis_name="c", subcore_axis_name="s")
    fn = functools.partial(
        pl.kernel,
        mesh=mesh,
        out_type=(
            jax.ShapeDtypeStruct((BATCH, 2 * DIM), jnp.float32),
            jax.ShapeDtypeStruct((BATCH, DIM), jnp.float32),
        ),
        scratch_types=[
            pltpu.VMEM((_G, HIST), jnp.int32),
            pltpu.VMEM((_G, HIST), jnp.int32),
            pltpu.VMEM((_G,), jnp.int32),
            pltpu.VMEM((HIST, DIM), jnp.float32),
            pltpu.VMEM((_G, DIM), jnp.float32),
            pltpu.VMEM((_G, 2 * DIM), jnp.float32),
            pltpu.SemaphoreType.DMA,
            pltpu.SemaphoreType.DMA,
        ],
        compiler_params=pltpu.CompilerParams(use_tc_tiling_on_sc=False),
    )(_sc_gather_kernel)
    return fn(item_table, shop_table, user_table, item_ids, shop_ids, user_ids)


def _tc_body(hist_ref, urow_ref, wu_ref, bu_ref, out_ref):
    out_ref[:, : 2 * DIM] = hist_ref[...]
    proj = jnp.dot(urow_ref[...], wu_ref[...],
                   preferred_element_type=jnp.float32)
    out_ref[:, 2 * DIM :] = proj + bu_ref[...]


def _tc_tail(hist, urows, W_u, b_u):
    blk = 2048
    grid = (BATCH // blk,)
    return pl.pallas_call(
        _tc_body,
        grid=grid,
        in_specs=[
            pl.BlockSpec((blk, 2 * DIM), lambda i: (i, 0)),
            pl.BlockSpec((blk, DIM), lambda i: (i, 0)),
            pl.BlockSpec((DIM, DIM), lambda i: (0, 0)),
            pl.BlockSpec((1, DIM), lambda i: (0, 0)),
        ],
        out_specs=pl.BlockSpec((blk, 3 * DIM), lambda i: (i, 0)),
        out_shape=jax.ShapeDtypeStruct((BATCH, 3 * DIM), jnp.float32),
    )(hist, urows, W_u, b_u)


def kernel(item_table, shop_table, user_table, W_u, b_u, item_ids, shop_ids, user_ids):
    item_ids = item_ids.astype(jnp.int32)
    shop_ids = shop_ids.astype(jnp.int32)
    user_ids = user_ids.astype(jnp.int32)
    hist, urows = _sc_gather(item_table, shop_table, user_table,
                             item_ids, shop_ids, user_ids)
    return _tc_tail(hist, urows, W_u, b_u.reshape(1, DIM))

# --- scband reference (transcript-rebuilt; emitter-appended) ---
"""Pipeline reference for scband-cl4-ubr-5875515261078 (READ-ONLY COPY).

The authoritative reference and input builder live on the scoring server;
editing this copy changes nothing except your own understanding.
"""

import jax, jax.numpy as jnp
import numpy as np

ITEM_NUM = 4096
SHOP_NUM = 2048
USER_NUM = 1000000
DIM = 64
K = 256
T_COLS = 512
C_COLS = 256
F_COLS = 128
A_COLS = 128
BATCH = 16384
HIST = 50


def _sprand(key, r, c, density):
    k1, k2 = jax.random.split(key)
    mask = jax.random.uniform(k1, (r, c)) < density
    vals = jax.random.normal(k2, (r, c)) * 0.1
    return jnp.where(mask, vals, 0.0)


def _build_tables(key):
    ks = jax.random.split(key, 16)
    # sparse item relation matrices (modeled densely with sparse density)
    i2i = _sprand(ks[0], ITEM_NUM, ITEM_NUM, 0.005)
    i2t = _sprand(ks[1], ITEM_NUM, T_COLS, 0.02)
    i2c = _sprand(ks[2], ITEM_NUM, C_COLS, 0.02)
    i2f = _sprand(ks[3], ITEM_NUM, F_COLS, 0.05)
    i2a = _sprand(ks[4], ITEM_NUM, A_COLS, 0.05)
    W_l = jax.random.normal(ks[5], (ITEM_NUM, K)) * 0.05
    W_t = jax.random.normal(ks[6], (T_COLS, K)) * 0.05
    W_c = jax.random.normal(ks[7], (C_COLS, K)) * 0.05
    W_f = jax.random.normal(ks[8], (F_COLS, K)) * 0.05
    W_a = jax.random.normal(ks[9], (A_COLS, K)) * 0.05
    W_em = jax.random.normal(ks[10], (K, DIM)) * 0.05
    b_em = jax.random.normal(ks[11], (ITEM_NUM, DIM)) * 0.05
    W_s = jax.random.normal(ks[12], (SHOP_NUM, ITEM_NUM)) * 0.02
    # constructor math from CL4UBR: multi-relation factorized item embedding
    e_l = jnp.tanh(i2i @ W_l)
    e_t = jnp.tanh(i2t @ W_t)
    e_c = jnp.tanh(i2c @ W_c)
    e_f = jnp.tanh(i2f @ W_f)
    e_a = jnp.tanh(i2a @ W_a)
    item_embed = (e_l + e_t + e_c + e_f + e_a) @ W_em + b_em
    shop_embed = W_s @ item_embed
    return item_embed, shop_embed


def setup_inputs(seed: int = 0) -> dict:
    key = jax.random.key(seed)
    ks = jax.random.split(key, 8)
    item_table, shop_table = _build_tables(ks[0])
    user_table = jax.random.normal(ks[1], (USER_NUM, DIM)) * 0.05
    W_u = jax.random.normal(ks[2], (DIM, DIM)) * 0.05
    b_u = jnp.zeros((DIM,), dtype=jnp.float32)
    item_ids = jax.random.randint(ks[3], (BATCH, HIST), 0, ITEM_NUM).astype(jnp.int64)
    shop_ids = jax.random.randint(ks[4], (BATCH, HIST), 0, SHOP_NUM).astype(jnp.int64)
    user_ids = jax.random.randint(ks[5], (BATCH,), 0, USER_NUM).astype(jnp.int64)
    return {
        "item_table": item_table,
        "shop_table": shop_table,
        "user_table": user_table,
        "W_u": W_u,
        "b_u": b_u,
        "item_ids": item_ids,
        "shop_ids": shop_ids,
        "user_ids": user_ids,
    }


def reference(item_table, shop_table, user_table, W_u, b_u, item_ids, shop_ids, user_ids):
    # embedding lookups (gathers) over item/shop/user tables
    ie = jnp.take(item_table, item_ids, axis=0)          # [B, HIST, DIM]
    se = jnp.take(shop_table, shop_ids, axis=0)          # [B, HIST, DIM]
    ue = jnp.take(user_table, user_ids, axis=0) @ W_u + b_u  # [B, DIM]
    hist_i = ie.mean(axis=1)
    hist_s = se.mean(axis=1)
    out = jnp.concatenate([hist_i, hist_s, ue], axis=-1)  # [B, 3*DIM]
    return out

if __name__ == "__main__":
    import jax
    _d = setup_inputs()
    print(jax.jit(kernel)(*tuple(_d.values())))

</pallas_src>

<mosaic_0001>
#map = affine_map<(d0, d1) -> (0, 0)>
#map1 = affine_map<(d0, d1) -> (0)>
module attributes {stable_mosaic.version = 14 : i64} {
  func.func @_sc_gather_kernel(%arg0: i32, %arg1: i32, %arg2: memref<4096x64xf32, #tpu.memory_space<hbm>>, %arg3: memref<2048x64xf32, #tpu.memory_space<hbm>>, %arg4: memref<1000000x64xf32, #tpu.memory_space<hbm>>, %arg5: memref<16384x50xi32, #tpu.memory_space<hbm>>, %arg6: memref<16384x50xi32, #tpu.memory_space<hbm>>, %arg7: memref<16384xi32, #tpu.memory_space<hbm>>, %arg8: memref<16384x128xf32, #tpu.memory_space<hbm>>, %arg9: memref<16384x64xf32, #tpu.memory_space<hbm>>, %arg10: memref<64x50xi32, #tpu.memory_space<vmem>>, %arg11: memref<64x50xi32, #tpu.memory_space<vmem>>, %arg12: memref<64xi32, #tpu.memory_space<vmem>>, %arg13: memref<50x64xf32, #tpu.memory_space<vmem>>, %arg14: memref<64x64xf32, #tpu.memory_space<vmem>>, %arg15: memref<64x128xf32, #tpu.memory_space<vmem>>, %arg16: memref<!tpu.dma_semaphore, #tpu.memory_space<semaphore_mem>>, %arg17: memref<!tpu.dma_semaphore, #tpu.memory_space<semaphore_mem>>) attributes {dimension_semantics = [#tpu.dimension_semantics<core_parallel>, #tpu.dimension_semantics<subcore_parallel>], iteration_bounds = array<i64: 2, 16>, scalar_prefetch = 0 : i64, scratch_operands = 8 : i64, tpu.core_type = #tpu.core_type<sc_vector_subcore>, window_params = [{transform_indices = #map}, {transform_indices = #map}, {transform_indices = #map}, {transform_indices = #map}, {transform_indices = #map}, {transform_indices = #map1}, {transform_indices = #map}, {transform_indices = #map}]} {
    %mul3A = arith.constant 2 : i32
    %mul3A_0 = arith.muli %arg1, %mul3A : i32
    %add3A = arith.addi %mul3A_0, %arg0 : i32
    %mul3A_1 = arith.constant 512 : i32
    %mul3A_2 = arith.muli %add3A, %mul3A_1 : i32
    %scan3A = arith.constant 0 : i32
    %scan3A_3 = arith.constant 0 : i32
    %scan3A_4 = arith.constant 8 : i32
    %scan3A_5 = arith.addi %scan3A_3, %scan3A_4 : i32
    %scan3A_6 = arith.constant 1 : i32
    %scan3A_7 = scf.for %scan3A_9 = %scan3A_3 to %scan3A_5 step %scan3A_6 iter_args(%scan3A_10 = %scan3A) -> (i32)  : i32 {
      %mul3A_11 = arith.constant 64 : i32
      %mul3A_12 = arith.muli %scan3A_9, %mul3A_11 : i32
      %add3A_13 = arith.addi %mul3A_2, %mul3A_12 : i32
      "tpu.region"() ({
        %run_scoped3A = tpu.sem_alloc : memref<!tpu.dma_semaphore, #tpu.memory_space<semaphore_mem>>
        %dma_start3A_26 = arith.constant 0 : i32
        %dma_start3A_27 = tpu.memref_slice %arg5[%add3A_13, %dma_start3A_26] : memref<16384x50xi32, #tpu.memory_space<hbm>> -> memref<64x50xi32, #tpu.memory_space<hbm>>
        %dma_start3A_28 = arith.constant 0 : i32
        %dma_start3A_29 = tpu.memref_slice %arg5[%add3A_13, %dma_start3A_28] : memref<16384x50xi32, #tpu.memory_space<hbm>> -> memref<64x50xi32, #tpu.memory_space<hbm>>
        tpu.enqueue_dma source(%dma_start3A_29 : memref<64x50xi32, #tpu.memory_space<hbm>>) target(%arg10 : memref<64x50xi32, #tpu.memory_space<vmem>>) target_semaphore(%run_scoped3A : memref<!tpu.dma_semaphore, #tpu.memory_space<semaphore_mem>>)
        %dma_wait3A_30 = arith.constant 0 : i32
        %dma_wait3A_31 = tpu.memref_slice %arg5[%add3A_13, %dma_wait3A_30] : memref<16384x50xi32, #tpu.memory_space<hbm>> -> memref<64x50xi32, #tpu.memory_space<hbm>>
        %dma_wait3A_32 = arith.constant 0 : i32
        %dma_wait3A_33 = tpu.memref_slice %arg5[%add3A_13, %dma_wait3A_32] : memref<16384x50xi32, #tpu.memory_space<hbm>> -> memref<64x50xi32, #tpu.memory_space<hbm>>
        tpu.wait_dma2 semaphore(%run_scoped3A : memref<!tpu.dma_semaphore, #tpu.memory_space<semaphore_mem>>) src(%dma_wait3A_33 : memref<64x50xi32, #tpu.memory_space<hbm>>) dst(%arg10 : memref<64x50xi32, #tpu.memory_space<vmem>>)
        tpu.yield
      }) : () -> ()
      "tpu.region"() ({
        %run_scoped3A = tpu.sem_alloc : memref<!tpu.dma_semaphore, #tpu.memory_space<semaphore_mem>>
        %dma_start3A_26 = arith.constant 0 : i32
        %dma_start3A_27 = tpu.memref_slice %arg6[%add3A_13, %dma_start3A_26] : memref<16384x50xi32, #tpu.memory_space<hbm>> -> memref<64x50xi32, #tpu.memory_space<hbm>>
        %dma_start3A_28 = arith.constant 0 : i32
        %dma_start3A_29 = tpu.memref_slice %arg6[%add3A_13, %dma_start3A_28] : memref<16384x50xi32, #tpu.memory_space<hbm>> -> memref<64x50xi32, #tpu.memory_space<hbm>>
        tpu.enqueue_dma source(%dma_start3A_29 : memref<64x50xi32, #tpu.memory_space<hbm>>) target(%arg11 : memref<64x50xi32, #tpu.memory_space<vmem>>) target_semaphore(%run_scoped3A : memref<!tpu.dma_semaphore, #tpu.memory_space<semaphore_mem>>)
        %dma_wait3A_30 = arith.constant 0 : i32
        %dma_wait3A_31 = tpu.memref_slice %arg6[%add3A_13, %dma_wait3A_30] : memref<16384x50xi32, #tpu.memory_space<hbm>> -> memref<64x50xi32, #tpu.memory_space<hbm>>
        %dma_wait3A_32 = arith.constant 0 : i32
        %dma_wait3A_33 = tpu.memref_slice %arg6[%add3A_13, %dma_wait3A_32] : memref<16384x50xi32, #tpu.memory_space<hbm>> -> memref<64x50xi32, #tpu.memory_space<hbm>>
        tpu.wait_dma2 semaphore(%run_scoped3A : memref<!tpu.dma_semaphore, #tpu.memory_space<semaphore_mem>>) src(%dma_wait3A_33 : memref<64x50xi32, #tpu.memory_space<hbm>>) dst(%arg11 : memref<64x50xi32, #tpu.memory_space<vmem>>)
        tpu.yield
      }) : () -> ()
      "tpu.region"() ({
        %run_scoped3A = tpu.sem_alloc : memref<!tpu.dma_semaphore, #tpu.memory_space<semaphore_mem>>
        %dma_start3A_26 = tpu.memref_slice %arg7[%add3A_13] : memref<16384xi32, #tpu.memory_space<hbm>> -> memref<64xi32, #tpu.memory_space<hbm>>
        %dma_start3A_27 = tpu.memref_slice %arg7[%add3A_13] : memref<16384xi32, #tpu.memory_space<hbm>> -> memref<64xi32, #tpu.memory_space<hbm>>
        tpu.enqueue_dma source(%dma_start3A_27 : memref<64xi32, #tpu.memory_space<hbm>>) target(%arg12 : memref<64xi32, #tpu.memory_space<vmem>>) target_semaphore(%run_scoped3A : memref<!tpu.dma_semaphore, #tpu.memory_space<semaphore_mem>>)
        %dma_wait3A_28 = tpu.memref_slice %arg7[%add3A_13] : memref<16384xi32, #tpu.memory_space<hbm>> -> memref<64xi32, #tpu.memory_space<hbm>>
        %dma_wait3A_29 = tpu.memref_slice %arg7[%add3A_13] : memref<16384xi32, #tpu.memory_space<hbm>> -> memref<64xi32, #tpu.memory_space<hbm>>
        tpu.wait_dma2 semaphore(%run_scoped3A : memref<!tpu.dma_semaphore, #tpu.memory_space<semaphore_mem>>) src(%dma_wait3A_29 : memref<64xi32, #tpu.memory_space<hbm>>) dst(%arg12 : memref<64xi32, #tpu.memory_space<vmem>>)
        tpu.yield
      }) : () -> ()
      %scan3A_14 = arith.constant 0 : i32
      %scan3A_15 = arith.constant 0 : i32
      %scan3A_16 = arith.constant 64 : i32
      %scan3A_17 = arith.addi %scan3A_15, %scan3A_16 : i32
      %scan3A_18 = arith.constant 1 : i32
      %scan3A_19 = scf.for %scan3A_26 = %scan3A_15 to %scan3A_17 step %scan3A_18 iter_args(%scan3A_27 = %scan3A_14) -> (i32)  : i32 {
        %dma_start3A_28 = arith.constant 0 : i32
        %dma_start3A_29 = tpu.memref_slice %arg10[%scan3A_26, %dma_start3A_28] : memref<64x50xi32, #tpu.memory_space<vmem>> -> memref<1x50xi32, #tpu.memory_space<vmem>>
        %dma_start3A_30 = tpu.memref_squeeze %dma_start3A_29 : memref<1x50xi32, #tpu.memory_space<vmem>> -> memref<50xi32, #tpu.memory_space<vmem>>
        %dma_start3A_31 = arith.constant 0 : i32
        %dma_start3A_32 = arith.constant 0 : i32
        %dma_start3A_33 = tpu.memref_slice %arg2[%dma_start3A_31, %dma_start3A_32] : memref<4096x64xf32, #tpu.memory_space<hbm>> -> memref<4096x64xf32, #tpu.memory_space<hbm>>
        tpu.enqueue_indirect_dma source(%dma_start3A_33 : memref<4096x64xf32, #tpu.memory_space<hbm>>) target(%arg13 : memref<50x64xf32, #tpu.memory_space<vmem>>) offsets(%dma_start3A_30 : memref<50xi32, #tpu.memory_space<vmem>>) semaphore(%arg16 : memref<!tpu.dma_semaphore, #tpu.memory_space<semaphore_mem>>)
        %dma_wait3A_34 = arith.constant 0 : i32
        %dma_wait3A_35 = tpu.memref_slice %arg10[%scan3A_26, %dma_wait3A_34] : memref<64x50xi32, #tpu.memory_space<vmem>> -> memref<1x50xi32, #tpu.memory_space<vmem>>
        %dma_wait3A_36 = tpu.memref_squeeze %dma_wait3A_35 : memref<1x50xi32, #tpu.memory_space<vmem>> -> memref<50xi32, #tpu.memory_space<vmem>>
        %dma_wait3A_37 = arith.constant 0 : i32
        %dma_wait3A_38 = arith.constant 0 : i32
        %dma_wait3A_39 = tpu.memref_slice %arg2[%dma_wait3A_37, %dma_wait3A_38] : memref<4096x64xf32, #tpu.memory_space<hbm>> -> memref<4096x64xf32, #tpu.memory_space<hbm>>
        tpu.wait_indirect_dma semaphore(%arg16 : memref<!tpu.dma_semaphore, #tpu.memory_space<semaphore_mem>>) src(%dma_wait3A_39 : memref<4096x64xf32, #tpu.memory_space<hbm>>) dst(%arg13 : memref<50x64xf32, #tpu.memory_space<vmem>>)
        %broadcast_in_dim3A = arith.constant 0.000000e+00 : f32
        %broadcast_in_dim3A_40 = vector.broadcast %broadcast_in_dim3A : f32 to vector<16xf32>
        %scan3A_41 = arith.constant 0 : i32
        %scan3A_42 = arith.constant 50 : i32
        %scan3A_43 = arith.addi %scan3A_41, %scan3A_42 : i32
        %scan3A_44 = arith.constant 1 : i32
        %scan3A_45:4 = scf.for %scan3A_131 = %scan3A_41 to %scan3A_43 step %scan3A_44 iter_args(%scan3A_132 = %broadcast_in_dim3A_40, %scan3A_133 = %broadcast_in_dim3A_40, %scan3A_134 = %broadcast_in_dim3A_40, %scan3A_135 = %broadcast_in_dim3A_40) -> (vector<16xf32>, vector<16xf32>, vector<16xf32>, vector<16xf32>)  : i32 {
          %get3A = arith.index_cast %scan3A_131 : i32 to index
          %get3A_136 = arith.constant 0 : index
          %get3A_137 = tpu.vector_load %arg13[%get3A, %get3A_136] {strides = array<i32>} : memref<50x64xf32, #tpu.memory_space<vmem>>, vector<1x16xf32>,
          %get3A_138 = vector.shape_cast %get3A_137 : vector<1x16xf32> to vector<16xf32>
          %add3A_139 = arith.addf %scan3A_132, %get3A_138 : vector<16xf32>
          %get3A_140 = arith.index_cast %scan3A_131 : i32 to index
          %get3A_141 = arith.constant 16 : index
          %get3A_142 = tpu.vector_load %arg13[%get3A_140, %get3A_141] {strides = array<i32>} : memref<50x64xf32, #tpu.memory_space<vmem>>, vector<1x16xf32>,
          %get3A_143 = vector.shape_cast %get3A_142 : vector<1x16xf32> to vector<16xf32>
          %add3A_144 = arith.addf %scan3A_133, %get3A_143 : vector<16xf32>
          %get3A_145 = arith.index_cast %scan3A_131 : i32 to index
          %get3A_146 = arith.constant 32 : index
          %get3A_147 = tpu.vector_load %arg13[%get3A_145, %get3A_146] {strides = array<i32>} : memref<50x64xf32, #tpu.memory_space<vmem>>, vector<1x16xf32>,
          %get3A_148 = vector.shape_cast %get3A_147 : vector<1x16xf32> to vector<16xf32>
          %add3A_149 = arith.addf %scan3A_134, %get3A_148 : vector<16xf32>
          %get3A_150 = arith.index_cast %scan3A_131 : i32 to index
          %get3A_151 = arith.constant 48 : index
          %get3A_152 = tpu.vector_load %arg13[%get3A_150, %get3A_151] {strides = array<i32>} : memref<50x64xf32, #tpu.memory_space<vmem>>, vector<1x16xf32>,
          %get3A_153 = vector.shape_cast %get3A_152 : vector<1x16xf32> to vector<16xf32>
          %add3A_154 = arith.addf %scan3A_135, %get3A_153 : vector<16xf32>
          scf.yield %add3A_139, %add3A_144, %add3A_149, %add3A_154 : vector<16xf32>, vector<16xf32>, vector<16xf32>, vector<16xf32>
        }
        %scan3A_46 = arith.constant 50 : i32
        %mul3A_47 = arith.constant 2.000000e-02 : f32
        %mul3A_48 = vector.broadcast %mul3A_47 : f32 to vector<16xf32>
        %mul3A_49 = arith.mulf %scan3A_45#0, %mul3A_48 : vector<16xf32>
        %swap3A = arith.index_cast %scan3A_26 : i32 to index
        %swap3A_50 = arith.constant 0 : index
        %swap3A_51 = tpu.vector_load %arg15[%swap3A, %swap3A_50] {strides = array<i32>} : memref<64x128xf32, #tpu.memory_space<vmem>>, vector<1x16xf32>,
        %swap3A_52 = vector.shape_cast %swap3A_51 : vector<1x16xf32> to vector<16xf32>
        %swap3A_53 = vector.shape_cast %mul3A_49 : vector<16xf32> to vector<1x16xf32>
        tpu.vector_store %arg15[%swap3A, %swap3A_50], %swap3A_53 {strides = array<i32>} : memref<64x128xf32, #tpu.memory_space<vmem>>, vector<1x16xf32>,
        %mul3A_54 = arith.constant 2.000000e-02 : f32
        %mul3A_55 = vector.broadcast %mul3A_54 : f32 to vector<16xf32>
        %mul3A_56 = arith.mulf %scan3A_45#1, %mul3A_55 : vector<16xf32>
        %swap3A_57 = arith.index_cast %scan3A_26 : i32 to index
        %swap3A_58 = arith.constant 16 : index
        %swap3A_59 = tpu.vector_load %arg15[%swap3A_57, %swap3A_58] {strides = array<i32>} : memref<64x128xf32, #tpu.memory_space<vmem>>, vector<1x16xf32>,
        %swap3A_60 = vector.shape_cast %swap3A_59 : vector<1x16xf32> to vector<16xf32>
        %swap3A_61 = vector.shape_cast %mul3A_56 : vector<16xf32> to vector<1x16xf32>
        tpu.vector_store %arg15[%swap3A_57, %swap3A_58], %swap3A_61 {strides = array<i32>} : memref<64x128xf32, #tpu.memory_space<vmem>>, vector<1x16xf32>,
        %mul3A_62 = arith.constant 2.000000e-02 : f32
        %mul3A_63 = vector.broadcast %mul3A_62 : f32 to vector<16xf32>
        %mul3A_64 = arith.mulf %scan3A_45#2, %mul3A_63 : vector<16xf32>
        %swap3A_65 = arith.index_cast %scan3A_26 : i32 to index
        %swap3A_66 = arith.constant 32 : index
        %swap3A_67 = tpu.vector_load %arg15[%swap3A_65, %swap3A_66] {strides = array<i32>} : memref<64x128xf32, #tpu.memory_space<vmem>>, vector<1x16xf32>,
        %swap3A_68 = vector.shape_cast %swap3A_67 : vector<1x16xf32> to vector<16xf32>
        %swap3A_69 = vector.shape_cast %mul3A_64 : vector<16xf32> to vector<1x16xf32>
        tpu.vector_store %arg15[%swap3A_65, %swap3A_66], %swap3A_69 {strides = array<i32>} : memref<64x128xf32, #tpu.memory_space<vmem>>, vector<1x16xf32>,
        %mul3A_70 = arith.constant 2.000000e-02 : f32
        %mul3A_71 = vector.broadcast %mul3A_70 : f32 to vector<16xf32>
        %mul3A_72 = arith.mulf %scan3A_45#3, %mul3A_71 : vector<16xf32>
        %swap3A_73 = arith.index_cast %scan3A_26 : i32 to index
        %swap3A_74 = arith.constant 48 : index
        %swap3A_75 = tpu.vector_load %arg15[%swap3A_73, %swap3A_74] {strides = array<i32>} : memref<64x128xf32, #tpu.memory_space<vmem>>, vector<1x16xf32>,
        %swap3A_76 = vector.shape_cast %swap3A_75 : vector<1x16xf32> to vector<16xf32>
        %swap3A_77 = vector.shape_cast %mul3A_72 : vector<16xf32> to vector<1x16xf32>
        tpu.vector_store %arg15[%swap3A_73, %swap3A_74], %swap3A_77 {strides = array<i32>} : memref<64x128xf32, #tpu.memory_space<vmem>>, vector<1x16xf32>,
        %dma_start3A_78 = arith.constant 0 : i32
        %dma_start3A_79 = tpu.memref_slice %arg11[%scan3A_26, %dma_start3A_78] : memref<64x50xi32, #tpu.memory_space<vmem>> -> memref<1x50xi32, #tpu.memory_space<vmem>>
        %dma_start3A_80 = tpu.memref_squeeze %dma_start3A_79 : memref<1x50xi32, #tpu.memory_space<vmem>> -> memref<50xi32, #tpu.memory_space<vmem>>
        %dma_start3A_81 = arith.constant 0 : i32
        %dma_start3A_82 = arith.constant 0 : i32
        %dma_start3A_83 = tpu.memref_slice %arg3[%dma_start3A_81, %dma_start3A_82] : memref<2048x64xf32, #tpu.memory_space<hbm>> -> memref<2048x64xf32, #tpu.memory_space<hbm>>
        tpu.enqueue_indirect_dma source(%dma_start3A_83 : memref<2048x64xf32, #tpu.memory_space<hbm>>) target(%arg13 : memref<50x64xf32, #tpu.memory_space<vmem>>) offsets(%dma_start3A_80 : memref<50xi32, #tpu.memory_space<vmem>>) semaphore(%arg16 : memref<!tpu.dma_semaphore, #tpu.memory_space<semaphore_mem>>)
        %dma_wait3A_84 = arith.constant 0 : i32
        %dma_wait3A_85 = tpu.memref_slice %arg11[%scan3A_26, %dma_wait3A_84] : memref<64x50xi32, #tpu.memory_space<vmem>> -> memref<1x50xi32, #tpu.memory_space<vmem>>
        %dma_wait3A_86 = tpu.memref_squeeze %dma_wait3A_85 : memref<1x50xi32, #tpu.memory_space<vmem>> -> memref<50xi32, #tpu.memory_space<vmem>>
        %dma_wait3A_87 = arith.constant 0 : i32
        %dma_wait3A_88 = arith.constant 0 : i32
        %dma_wait3A_89 = tpu.memref_slice %arg3[%dma_wait3A_87, %dma_wait3A_88] : memref<2048x64xf32, #tpu.memory_space<hbm>> -> memref<2048x64xf32, #tpu.memory_space<hbm>>
        tpu.wait_indirect_dma semaphore(%arg16 : memref<!tpu.dma_semaphore, #tpu.memory_space<semaphore_mem>>) src(%dma_wait3A_89 : memref<2048x64xf32, #tpu.memory_space<hbm>>) dst(%arg13 : memref<50x64xf32, #tpu.memory_space<vmem>>)
        %broadcast_in_dim3A_90 = arith.constant 0.000000e+00 : f32
        %broadcast_in_dim3A_91 = vector.broadcast %broadcast_in_dim3A_90 : f32 to vector<16xf32>
        %scan3A_92 = arith.constant 0 : i32
        %scan3A_93 = arith.constant 50 : i32
        %scan3A_94 = arith.addi %scan3A_92, %scan3A_93 : i32
        %scan3A_95 = arith.constant 1 : i32
        %scan3A_96:4 = scf.for %scan3A_131 = %scan3A_92 to %scan3A_94 step %scan3A_95 iter_args(%scan3A_132 = %broadcast_in_dim3A_91, %scan3A_133 = %broadcast_in_dim3A_91, %scan3A_134 = %broadcast_in_dim3A_91, %scan3A_135 = %broadcast_in_dim3A_91) -> (vector<16xf32>, vector<16xf32>, vector<16xf32>, vector<16xf32>)  : i32 {
          %get3A = arith.index_cast %scan3A_131 : i32 to index
          %get3A_136 = arith.constant 0 : index
          %get3A_137 = tpu.vector_load %arg13[%get3A, %get3A_136] {strides = array<i32>} : memref<50x64xf32, #tpu.memory_space<vmem>>, vector<1x16xf32>,
          %get3A_138 = vector.shape_cast %get3A_137 : vector<1x16xf32> to vector<16xf32>
          %add3A_139 = arith.addf %scan3A_132, %get3A_138 : vector<16xf32>
          %get3A_140 = arith.index_cast %scan3A_131 : i32 to index
          %get3A_141 = arith.constant 16 : index
          %get3A_142 = tpu.vector_load %arg13[%get3A_140, %get3A_141] {strides = array<i32>} : memref<50x64xf32, #tpu.memory_space<vmem>>, vector<1x16xf32>,
          %get3A_143 = vector.shape_cast %get3A_142 : vector<1x16xf32> to vector<16xf32>
          %add3A_144 = arith.addf %scan3A_133, %get3A_143 : vector<16xf32>
          %get3A_145 = arith.index_cast %scan3A_131 : i32 to index
          %get3A_146 = arith.constant 32 : index
          %get3A_147 = tpu.vector_load %arg13[%get3A_145, %get3A_146] {strides = array<i32>} : memref<50x64xf32, #tpu.memory_space<vmem>>, vector<1x16xf32>,
          %get3A_148 = vector.shape_cast %get3A_147 : vector<1x16xf32> to vector<16xf32>
          %add3A_149 = arith.addf %scan3A_134, %get3A_148 : vector<16xf32>
          %get3A_150 = arith.index_cast %scan3A_131 : i32 to index
          %get3A_151 = arith.constant 48 : index
          %get3A_152 = tpu.vector_load %arg13[%get3A_150, %get3A_151] {strides = array<i32>} : memref<50x64xf32, #tpu.memory_space<vmem>>, vector<1x16xf32>,
          %get3A_153 = vector.shape_cast %get3A_152 : vector<1x16xf32> to vector<16xf32>
          %add3A_154 = arith.addf %scan3A_135, %get3A_153 : vector<16xf32>
          scf.yield %add3A_139, %add3A_144, %add3A_149, %add3A_154 : vector<16xf32>, vector<16xf32>, vector<16xf32>, vector<16xf32>
        }
        %scan3A_97 = arith.constant 50 : i32
        %mul3A_98 = arith.constant 2.000000e-02 : f32
        %mul3A_99 = vector.broadcast %mul3A_98 : f32 to vector<16xf32>
        %mul3A_100 = arith.mulf %scan3A_96#0, %mul3A_99 : vector<16xf32>
        %swap3A_101 = arith.index_cast %scan3A_26 : i32 to index
        %swap3A_102 = arith.constant 64 : index
        %swap3A_103 = tpu.vector_load %arg15[%swap3A_101, %swap3A_102] {strides = array<i32>} : memref<64x128xf32, #tpu.memory_space<vmem>>, vector<1x16xf32>,
        %swap3A_104 = vector.shape_cast %swap3A_103 : vector<1x16xf32> to vector<16xf32>
        %swap3A_105 = vector.shape_cast %mul3A_100 : vector<16xf32> to vector<1x16xf32>
        tpu.vector_store %arg15[%swap3A_101, %swap3A_102], %swap3A_105 {strides = array<i32>} : memref<64x128xf32, #tpu.memory_space<vmem>>, vector<1x16xf32>,
        %mul3A_106 = arith.constant 2.000000e-02 : f32
        %mul3A_107 = vector.broadcast %mul3A_106 : f32 to vector<16xf32>
        %mul3A_108 = arith.mulf %scan3A_96#1, %mul3A_107 : vector<16xf32>
        %swap3A_109 = arith.index_cast %scan3A_26 : i32 to index
        %swap3A_110 = arith.constant 80 : index
        %swap3A_111 = tpu.vector_load %arg15[%swap3A_109, %swap3A_110] {strides = array<i32>} : memref<64x128xf32, #tpu.memory_space<vmem>>, vector<1x16xf32>,
        %swap3A_112 = vector.shape_cast %swap3A_111 : vector<1x16xf32> to vector<16xf32>
        %swap3A_113 = vector.shape_cast %mul3A_108 : vector<16xf32> to vector<1x16xf32>
        tpu.vector_store %arg15[%swap3A_109, %swap3A_110], %swap3A_113 {strides = array<i32>} : memref<64x128xf32, #tpu.memory_space<vmem>>, vector<1x16xf32>,
        %mul3A_114 = arith.constant 2.000000e-02 : f32
        %mul3A_115 = vector.broadcast %mul3A_114 : f32 to vector<16xf32>
        %mul3A_116 = arith.mulf %scan3A_96#2, %mul3A_115 : vector<16xf32>
        %swap3A_117 = arith.index_cast %scan3A_26 : i32 to index
        %swap3A_118 = arith.constant 96 : index
        %swap3A_119 = tpu.vector_load %arg15[%swap3A_117, %swap3A_118] {strides = array<i32>} : memref<64x128xf32, #tpu.memory_space<vmem>>, vector<1x16xf32>,
        %swap3A_120 = vector.shape_cast %swap3A_119 : vector<1x16xf32> to vector<16xf32>
        %swap3A_121 = vector.shape_cast %mul3A_116 : vector<16xf32> to vector<1x16xf32>
        tpu.vector_store %arg15[%swap3A_117, %swap3A_118], %swap3A_121 {strides = array<i32>} : memref<64x128xf32, #tpu.memory_space<vmem>>, vector<1x16xf32>,
        %mul3A_122 = arith.constant 2.000000e-02 : f32
        %mul3A_123 = vector.broadcast %mul3A_122 : f32 to vector<16xf32>
        %mul3A_124 = arith.mulf %scan3A_96#3, %mul3A_123 : vector<16xf32>
        %swap3A_125 = arith.index_cast %scan3A_26 : i32 to index
        %swap3A_126 = arith.constant 112 : index
        %swap3A_127 = tpu.vector_load %arg15[%swap3A_125, %swap3A_126] {strides = array<i32>} : memref<64x128xf32, #tpu.memory_space<vmem>>, vector<1x16xf32>,
        %swap3A_128 = vector.shape_cast %swap3A_127 : vector<1x16xf32> to vector<16xf32>
        %swap3A_129 = vector.shape_cast %mul3A_124 : vector<16xf32> to vector<1x16xf32>
        tpu.vector_store %arg15[%swap3A_125, %swap3A_126], %swap3A_129 {strides = array<i32>} : memref<64x128xf32, #tpu.memory_space<vmem>>, vector<1x16xf32>,
        %scan3A_130 = arith.constant 0 : i32
        scf.yield %scan3A_130 : i32
      }
      %scan3A_20 = arith.constant 64 : i32
      %dma_start3A = arith.constant 0 : i32
      %dma_start3A_21 = arith.constant 0 : i32
      %dma_start3A_22 = tpu.memref_slice %arg4[%dma_start3A, %dma_start3A_21] : memref<1000000x64xf32, #tpu.memory_space<hbm>> -> memref<1000000x64xf32, #tpu.memory_space<hbm>>
      tpu.enqueue_indirect_dma source(%dma_start3A_22 : memref<1000000x64xf32, #tpu.memory_space<hbm>>) target(%arg14 : memref<64x64xf32, #tpu.memory_space<vmem>>) offsets(%arg12 : memref<64xi32, #tpu.memory_space<vmem>>) semaphore(%arg17 : memref<!tpu.dma_semaphore, #tpu.memory_space<semaphore_mem>>)
      %dma_wait3A = arith.constant 0 : i32
      %dma_wait3A_23 = arith.constant 0 : i32
      %dma_wait3A_24 = tpu.memref_slice %arg4[%dma_wait3A, %dma_wait3A_23] : memref<1000000x64xf32, #tpu.memory_space<hbm>> -> memref<1000000x64xf32, #tpu.memory_space<hbm>>
      tpu.wait_indirect_dma semaphore(%arg17 : memref<!tpu.dma_semaphore, #tpu.memory_space<semaphore_mem>>) src(%dma_wait3A_24 : memref<1000000x64xf32, #tpu.memory_space<hbm>>) dst(%arg14 : memref<64x64xf32, #tpu.memory_space<vmem>>)
      "tpu.region"() ({
        %run_scoped3A = tpu.sem_alloc : memref<!tpu.dma_semaphore, #tpu.memory_space<semaphore_mem>>
        %dma_start3A_26 = arith.constant 0 : i32
        %dma_start3A_27 = tpu.memref_slice %arg8[%add3A_13, %dma_start3A_26] : memref<16384x128xf32, #tpu.memory_space<hbm>> -> memref<64x128xf32, #tpu.memory_space<hbm>>
        %dma_start3A_28 = arith.constant 0 : i32
        %dma_start3A_29 = tpu.memref_slice %arg8[%add3A_13, %dma_start3A_28] : memref<16384x128xf32, #tpu.memory_space<hbm>> -> memref<64x128xf32, #tpu.memory_space<hbm>>
        tpu.enqueue_dma source(%arg15 : memref<64x128xf32, #tpu.memory_space<vmem>>) target(%dma_start3A_29 : memref<64x128xf32, #tpu.memory_space<hbm>>) target_semaphore(%run_scoped3A : memref<!tpu.dma_semaphore, #tpu.memory_space<semaphore_mem>>)
        %dma_wait3A_30 = arith.constant 0 : i32
        %dma_wait3A_31 = tpu.memref_slice %arg8[%add3A_13, %dma_wait3A_30] : memref<16384x128xf32, #tpu.memory_space<hbm>> -> memref<64x128xf32, #tpu.memory_space<hbm>>
        %dma_wait3A_32 = arith.constant 0 : i32
        %dma_wait3A_33 = tpu.memref_slice %arg8[%add3A_13, %dma_wait3A_32] : memref<16384x128xf32, #tpu.memory_space<hbm>> -> memref<64x128xf32, #tpu.memory_space<hbm>>
        tpu.wait_dma2 semaphore(%run_scoped3A : memref<!tpu.dma_semaphore, #tpu.memory_space<semaphore_mem>>) src(%arg15 : memref<64x128xf32, #tpu.memory_space<vmem>>) dst(%dma_wait3A_33 : memref<64x128xf32, #tpu.memory_space<hbm>>)
        tpu.yield
      }) : () -> ()
      "tpu.region"() ({
        %run_scoped3A = tpu.sem_alloc : memref<!tpu.dma_semaphore, #tpu.memory_space<semaphore_mem>>
        %dma_start3A_26 = arith.constant 0 : i32
        %dma_start3A_27 = tpu.memref_slice %arg9[%add3A_13, %dma_start3A_26] : memref<16384x64xf32, #tpu.memory_space<hbm>> -> memref<64x64xf32, #tpu.memory_space<hbm>>
        %dma_start3A_28 = arith.constant 0 : i32
        %dma_start3A_29 = tpu.memref_slice %arg9[%add3A_13, %dma_start3A_28] : memref<16384x64xf32, #tpu.memory_space<hbm>> -> memref<64x64xf32, #tpu.memory_space<hbm>>
        tpu.enqueue_dma source(%arg14 : memref<64x64xf32, #tpu.memory_space<vmem>>) target(%dma_start3A_29 : memref<64x64xf32, #tpu.memory_space<hbm>>) target_semaphore(%run_scoped3A : memref<!tpu.dma_semaphore, #tpu.memory_space<semaphore_mem>>)
        %dma_wait3A_30 = arith.constant 0 : i32
        %dma_wait3A_31 = tpu.memref_slice %arg9[%add3A_13, %dma_wait3A_30] : memref<16384x64xf32, #tpu.memory_space<hbm>> -> memref<64x64xf32, #tpu.memory_space<hbm>>
        %dma_wait3A_32 = arith.constant 0 : i32
        %dma_wait3A_33 = tpu.memref_slice %arg9[%add3A_13, %dma_wait3A_32] : memref<16384x64xf32, #tpu.memory_space<hbm>> -> memref<64x64xf32, #tpu.memory_space<hbm>>
        tpu.wait_dma2 semaphore(%run_scoped3A : memref<!tpu.dma_semaphore, #tpu.memory_space<semaphore_mem>>) src(%arg14 : memref<64x64xf32, #tpu.memory_space<vmem>>) dst(%dma_wait3A_33 : memref<64x64xf32, #tpu.memory_space<hbm>>)
        tpu.yield
      }) : () -> ()
      %scan3A_25 = arith.constant 0 : i32
      scf.yield %scan3A_25 : i32
    }
    %scan3A_8 = arith.constant 8 : i32
    return
  }
}

module attributes {stable_mosaic.version = 14 : i64} {
  func.func @_tc_body(%arg0: i32, %arg1: memref<2048x128xf32, #tpu.memory_space<vmem>>, %arg2: memref<2048x64xf32, #tpu.memory_space<vmem>>, %arg3: memref<64x64xf32, #tpu.memory_space<vmem>>, %arg4: memref<1x64xf32, #tpu.memory_space<vmem>>, %arg5: memref<2048x192xf32, #tpu.memory_space<vmem>>) attributes {dimension_semantics = [#tpu.dimension_semantics<arbitrary>], iteration_bounds = array<i64: 8>, scalar_prefetch = 0 : i64, scratch_operands = 0 : i64, tpu.core_type = #tpu.core_type<tc>, window_params = [{transform_indices = @transform_0, window_bounds = array<i64: 2048, 128>}, {transform_indices = @transform_1, window_bounds = array<i64: 2048, 64>}, {pipeline_mode = #tpu.pipeline_mode<synchronous>, transform_indices = @transform_2, window_bounds = array<i64: 64, 64>}, {pipeline_mode = #tpu.pipeline_mode<synchronous>, transform_indices = @transform_3, window_bounds = array<i64: 1, 64>}, {transform_indices = @transform_4, window_bounds = array<i64: 2048, 192>}]} {
    %get3A = arith.constant 0 : index
    %get3A_0 = arith.constant 0 : index
    %get3A_1 = vector.load %arg1[%get3A, %get3A_0] : memref<2048x128xf32, #tpu.memory_space<vmem>>, vector<2048x128xf32>
    %swap3A = arith.constant 0 : index
    %swap3A_2 = arith.constant 0 : index
    %swap3A_3 = vector.load %arg5[%swap3A, %swap3A_2] : memref<2048x192xf32, #tpu.memory_space<vmem>>, vector<2048x128xf32>
    tpu.vector_store %arg5[%swap3A, %swap3A_2], %get3A_1 {strides = array<i32>} : memref<2048x192xf32, #tpu.memory_space<vmem>>, vector<2048x128xf32>,
    %get3A_4 = arith.constant 0 : index
    %get3A_5 = arith.constant 0 : index
    %get3A_6 = vector.load %arg2[%get3A_4, %get3A_5] : memref<2048x64xf32, #tpu.memory_space<vmem>>, vector<2048x64xf32>
    %get3A_7 = arith.constant 0 : index
    %get3A_8 = arith.constant 0 : index
    %get3A_9 = vector.load %arg3[%get3A_7, %get3A_8] : memref<64x64xf32, #tpu.memory_space<vmem>>, vector<64x64xf32>
    %dot_general3A = arith.constant dense<0.000000e+00> : vector<2048x64xf32>
    %dot_general3A_10 = tpu.matmul %get3A_6, %get3A_9, %dot_general3A {dimension_numbers = #tpu.dot_dimension_numbers<[1], [0], [0], [1], [0, 0, 1, 1], [], []>, transpose_lhs_hint = false} : vector<2048x64xf32>, vector<64x64xf32>, vector<2048x64xf32> -> vector<2048x64xf32>
    %get3A_11 = arith.constant 0 : index
    %get3A_12 = arith.constant 0 : index
    %get3A_13 = vector.load %arg4[%get3A_11, %get3A_12] : memref<1x64xf32, #tpu.memory_space<vmem>>, vector<1x64xf32>
    %add3A = vector.broadcast %get3A_13 : vector<1x64xf32> to vector<2048x64xf32>
    %add3A_14 = arith.addf %dot_general3A_10, %add3A : vector<2048x64xf32>
    %swap3A_15 = arith.constant 0 : index
    %swap3A_16 = arith.constant 128 : index
    %swap3A_17 = vector.load %arg5[%swap3A_15, %swap3A_16] : memref<2048x192xf32, #tpu.memory_space<vmem>>, vector<2048x64xf32>
    tpu.vector_store %arg5[%swap3A_15, %swap3A_16], %add3A_14 {strides = array<i32>} : memref<2048x192xf32, #tpu.memory_space<vmem>>, vector<2048x64xf32>,
    return
  }
  func.func @transform_0(%arg0: i32) -> (i32, i32) {
    %c0_i32 = arith.constant 0 : i32
    %c0_i32_0 = arith.constant 0 : i32
    return %arg0, %c0_i32 : i32, i32
  }
  func.func @transform_1(%arg0: i32) -> (i32, i32) {
    %c0_i32 = arith.constant 0 : i32
    %c0_i32_0 = arith.constant 0 : i32
    return %arg0, %c0_i32 : i32, i32
  }
  func.func @transform_2(%arg0: i32) -> (i32, i32) {
    %c0_i32 = arith.constant 0 : i32
    %c0_i32_0 = arith.constant 0 : i32
    %c0_i32_1 = arith.constant 0 : i32
    return %c0_i32, %c0_i32_0 : i32, i32
  }
  func.func @transform_3(%arg0: i32) -> (i32, i32) {
    %c0_i32 = arith.constant 0 : i32
    %c0_i32_0 = arith.constant 0 : i32
    %c0_i32_1 = arith.constant 0 : i32
    return %c0_i32, %c0_i32_0 : i32, i32
  }
  func.func @transform_4(%arg0: i32) -> (i32, i32) {
    %c0_i32 = arith.constant 0 : i32
    %c0_i32_0 = arith.constant 0 : i32
    return %arg0, %c0_i32 : i32, i32
  }
}

</mosaic_0001>

<sc_bundles>
// kernel: kernel.4.cloned.1.call-start
scs
__scs_entry_jumppad:
0x0: {  	(pc) =	sbr.rel $0x88, $3  }
0x1: {  	(tag) =	ssettag $0x0;
	lr =	simm.s32 $0x1  }
0x2: {  	[smem:$0x3F99] =	sst lr;
	_ =	strace $0xD0000000  }
0x3: {  	_ = 	snop  }
0x4: {  	_ = 	snop  }
0x5: {  	_ = 	snop  }
0x6: {  	_ = 	snop  }
0x7: {  	_ = 	snop  }
__scs_overlays_trampoline_lowered:
0x8: {  	[smem:$0x3FA8] =	sst s0  }
0x9: {  	[smem:$0x3FA9] =	sst s1  }
0xa: {  	[smem:$0x3FAA] =	sst s2  }
0xb: {  	[smem:$0x3FAB] =	sst s3  }
0xc: {  	[smem:$0x3FAC] =	sst s4  }
0xd: {  	[smem:$0x3FAD] =	sst s5  }
0xe: {  	[smem:$0x3FAE] =	sst s6  }
0xf: {  	[smem:$0x3FAF] =	sst s7  }
0x10: {  	[smem:$0x3FB0] =	sst s8  }
0x11: {  	[smem:$0x3FB1] =	sst s9;
	s0 =	simm.s32 @!p0 $0x0  }
0x12: {  	s1 =	sld [smem:$0x3F97];
	s0 =	simm.s32 @p0 $0x1  }
0x13: {  	[smem:$0x3FB2] =	sst s0;
	s0 =	simm.s32 @!p1 $0x0  }
0x14: {  	s2 =	sld [smem:$0x3F96];
	s0 =	simm.s32 @p1 $0x1  }
0x15: {  	[smem:$0x3FB3] =	sst s0;
	s0 =	simm.s32 @!p2 $0x0  }
0x16: {  	s3 =	sld [smem:$0x3FDB];
	s0 =	simm.s32 @p2 $0x1  }
0x17: {  	s4 =	simm.s32 $0x1BF5;
	[smem:$0x3FB5] =	sst s0  }
0x18: {  	s0 =	sld [smem:$0x3F98];
	_ =	swait.ge [sflag:s4], $0x0  }
0x19: {  	s7 =	sld [smem:$0x3F99]  }
0x1a: {  	s8 =	sadd.s32 $0xFFFFE003, lr  }
0x1b: {  	s9 =	sadd.s32 $0xFFFFFEF7, lr;
	s5 =	simm.s32 $0xFFFFFFFF;
	p2 =	slt.u32 s8, $0xFFFFF086  }
0x1c: {  	p1 =	slt.u32 s9, $0xF7A;
	s5 =	simm.s32 @!p2 $0x0  }
0x1d: {  	s5 =	simm.s32 @p1 $0x1;
	p0 =	seq.s32 s7, s2  }
0x1e: {  	s7 =	smul.u32 @!p0 $0xF7A, s2;
	p2 =	seq.s32 @!p0 s5, $0x0  }
0x1f: {  	s9 =	smul.u32 $0xF7A, s1;
	s8 =	simm.s32 @!p0 $0x1BF5;
	p2 =	por !p2, p0  }
0x20: {  	[sflag:s8] =	ssyncset.s32 @!p0 $0xFFFFF086;
	s6 =	sadd.s32 @!p0 s3, s7;
	s7 =	simm.s32 @!p0 $0x108  }
0x21: {  	s3 =	sadd.s32 s3, s9;
	s6 =	sadd.s32 @!p0 $0x88, s6;
	s7 =	simm.s32 @p2 $0x1082  }
0x22: {  	[simem:s7], [sflag:s8] =	dma.local @!p0 [hbm:s6], $0xF7A  }
0x23: {  	s9 =	sor.u32 $0xD0000000, s2;
	s6 =	simm.s32 $0x108;
	_ =	swait.ge @!p0 [sflag:s8], $0x0  }
0x24: {  	s3 =	sadd.s32 $0x88, s3;
	s6 =	simm.s32 @!p1 $0x1082;
	[sflag:s4] =	ssyncset.s32 $0xFFFFF086  }
0x25: {  	[simem:s6], [sflag:s4] =	dma.local [hbm:s3], $0xF7A  }
0x26: {  	[smem:$0x3F99] =	sst s1;
	(tag) =	ssettag s2;
	_ =	strace s9  }
0x27: {  	s1 =	sld [smem:$0x3FA9]  }
0x28: {  	s2 =	sld [smem:$0x3FAA]  }
0x29: {  	s4 =	sld [smem:$0x3FAC]  }
0x2a: {  	p0 =	seq.s32 s5, $0x0;
	s5 =	sld [smem:$0x3FAD]  }
0x2b: {  	s6 =	sld [smem:$0x3FAE]  }
0x2c: {  	s7 =	sld [smem:$0x3FAF]  }
0x2d: {  	s3 =	simm.s32 $0x108;
	s8 =	sld [smem:$0x3FB0]  }
0x2e: {  	s3 =	simm.s32 @!p0 $0x1082;
	s9 =	sld [smem:$0x3FB1]  }
0x2f: {  	lr =	sadd.s32 s0, s3;
	s0 =	sld [smem:$0x3FA8]  }
0x30: {  	s3 =	sld [smem:$0x3FAB]  }
0x31: {  	[smem:$0x3FB4] =	sst s10  }
0x32: {  	s10 =	sld [smem:$0x3FB2];
	_ =	sdelay $0x3  }
0x33: {  	p0 =	seq.s32 s10, $0x1;
	s10 =	sld [smem:$0x3FB4];
	_ =	sdelay $0x3  }
0x34: {  	[smem:$0x3FB4] =	sst s10  }
0x35: {  	s10 =	sld [smem:$0x3FB3];
	_ =	sdelay $0x3  }
0x36: {  	p1 =	seq.s32 s10, $0x1;
	s10 =	sld [smem:$0x3FB4];
	_ =	sdelay $0x3  }
0x37: {  	[smem:$0x3FB4] =	sst s10  }
0x38: {  	s10 =	sld [smem:$0x3FB5]  }
0x39: {  	_ = 	snop;
	(pc) =	sbr.ind lr, $3  }
0x3a: {  	_ = 	snop  }
0x3b: {  	_ = 	snop  }
0x3c: {  	p2 =	seq.s32 s10, $0x1;
	s10 =	sld [smem:$0x3FB4]  }
0x3d: {  	_ =	shalt  }
0x3e: {  	_ =	shalt  }
0x3f: {  	_ =	shalt  }
0x40: {  	_ =	shalt  }
0x41: {  	_ =	shalt  }
0x42: {  	_ =	shalt  }
0x43: {  	_ =	shalt  }
0x44: {  	_ =	shalt  }
0x45: {  	_ =	shalt  }
0x46: {  	_ =	shalt  }
0x47: {  	_ =	shalt  }
0x48: {  	_ =	shalt  }
0x49: {  	_ =	shalt  }
0x4a: {  	_ =	shalt  }
0x4b: {  	_ =	shalt  }
0x4c: {  	_ =	shalt  }
0x4d: {  	_ =	shalt  }
0x4e: {  	_ =	shalt  }
0x4f: {  	_ =	shalt  }
0x50: {  	_ =	shalt  }
0x51: {  	_ =	shalt  }
0x52: {  	_ =	shalt  }
0x53: {  	_ =	shalt  }
0x54: {  	_ =	shalt  }
0x55: {  	_ =	shalt  }
0x56: {  	_ =	shalt  }
0x57: {  	_ =	shalt  }
0x58: {  	_ =	shalt  }
0x59: {  	_ =	shalt  }
0x5a: {  	_ =	shalt  }
0x5b: {  	_ =	shalt  }
0x5c: {  	_ =	shalt  }
0x5d: {  	_ =	shalt  }
0x5e: {  	_ =	shalt  }
0x5f: {  	_ =	shalt  }
0x60: {  	_ =	shalt  }
0x61: {  	_ =	shalt  }
0x62: {  	_ =	shalt  }
0x63: {  	_ =	shalt  }
0x64: {  	_ =	shalt  }
0x65: {  	_ =	shalt  }
0x66: {  	_ =	shalt  }
0x67: {  	_ =	shalt  }
0x68: {  	_ =	shalt  }
0x69: {  	_ =	shalt  }
0x6a: {  	_ =	shalt  }
0x6b: {  	_ =	shalt  }
0x6c: {  	_ =	shalt  }
0x6d: {  	_ =	shalt  }
0x6e: {  	_ =	shalt  }
0x6f: {  	_ =	shalt  }
0x70: {  	_ =	shalt  }
0x71: {  	_ =	shalt  }
0x72: {  	_ =	shalt  }
0x73: {  	_ =	shalt  }
0x74: {  	_ =	shalt  }
0x75: {  	_ =	shalt  }
0x76: {  	_ =	shalt  }
0x77: {  	_ =	shalt  }
0x78: {  	_ =	shalt  }
0x79: {  	_ =	shalt  }
0x7a: {  	_ =	shalt  }
0x7b: {  	_ =	shalt  }
0x7c: {  	_ =	shalt  }
0x7d: {  	_ =	shalt  }
0x7e: {  	_ =	shalt  }
0x7f: {  	_ =	shalt  }
0x80: {  	_ =	shalt  }
0x81: {  	_ =	shalt  }
0x82: {  	_ =	shalt  }
0x83: {  	_ =	shalt  }
0x84: {  	_ =	shalt  }
0x85: {  	_ =	shalt  }
0x86: {  	_ =	shalt  }
0x87: {  	_ =	shalt  }
.Lfunc_end0:
.L_simem_size_0:
called_computation_lowered:
.L_overlay_start_0:
0x88: {  	s2 =	sld [smem:$0x3FD9]  }
0x89: {  	s3 =	sld [smem:$0x3FFE];
	_ =	sdelay $0x1  }
0x8a: {  	s1 =	srdreg.scid  }
0x8b: {  	s0 =	sand.u32 $0x1, s1  }
0x8c: {  	s17 =	sshll.u32 s0, $0xA;
	s2 =	sadd.s32 s3, s2  }
0x8d: {  	s2 =	sadd.s32 s2, s17  }
0x8e: {  	[smem:$0x3FC0] =	sst s2  }
0x8f: {  	_ = 	snop  }
0x90: {  	s2 =	sld [smem:$0x3FC2]  }
0x91: {  	s18 =	sld [smem:$0x3FD0];
	(tm) =	ssettm $0x1  }
0x92: {  	s4 =	sld [smem:$0x3FFB];
	_ =	sdelay $0x3  }
0x93: {  	_ =	strace s4  }
0x94: {  	s4 =	sld [smem:$0x3FFC];
	_ =	sdelay $0x3  }
0x95: {  	_ =	strace s4  }
0x96: {  	s4 =	sld [smem:$0x3FFD];
	_ =	sdelay $0x3  }
0x97: {  	_ =	strace s4  }
0x98: {  	_ =	strace $0x8FFFFFFF  }
0x99: {  	s19 =	sld [smem:$0x3FDB];
	_ =	sdelay $0x1  }
0x9a: {  	s5 =	simm.s32 $_scs_section_size  }
0x9b: {  	s6 =	simm.s32 $_size__tile_overlayer_lowered;
	s7 =	simm.s32 $_tile_overlayer_lowered  }
0x9c: {  	s22 =	simm.s32 $0x1BFF;
	s21 =	sshll.u32 s7, $0x1;
	s4 =	sadd.s32 s5, s19  }
0x9d: {  	s8 =	simm.s32 $0x0;
	s20 =	sshll.u32 s6, $0x1;
	s6 =	sadd.s32 s21, s4  }
0x9e: {  	[timem:s8], [sflag:s22] =	dma.local [hbm:s6], s20  }
0x9f: {  	_ =	swait.ge [sflag:s22], s20  }
0xa0: {  	s5 =	ssub.s32 $0x0, s20;
	[sflag:s22] =	ssyncset.done $0x0  }
0xa1: {  	[sflag:s22] =	ssyncadd.s32 s5;
	_ =	sdelay $0x1  }
0xa2: {  	s23 =	simm.s32 $0x1B8B  }
0xa3: {  	_ =	swait.ge [sflag:s23], $0x1  }
0xa4: {  	[sflag:s23] =	ssyncset.done $0x0  }
0xa5: {  	s25 =	simm.s32 $0x1B8E;
	s24 =	sld [smem:$0x3FFE];
	[sflag:s23] =	ssyncadd.s32 $0xFFFFFFFF  }
0xa6: {  	s26 =	simm.s32 $execute0_lowered;
	[smem:$0x3FD2] =	sst s25  }
0xa7: {  	s6 =	sshll.u32 s26, $0x1;
	_ =	strace $0x80000046;
	[dreg:$0x1] =	wrdreg $0xFFFFFFFF  }
0xa8: {  	s28 =	simm.s32 $_size_execute0_lowered;
	s4 =	sadd.s32 s4, s6;
	[dreg:$0x0] =	wrdreg $0x0  }
0xa9: {  	s6 =	sshll.u32 s28, $0x1;
	[dreg:$0x2] =	wrdreg s4  }
0xaa: {  	[dreg:$0x3] =	wrdreg s6  }
0xab: {  	[dreg:$0x4] =	wrdreg $0xC0  }
0xac: {  	_ =	task [dreg:s8], $0x5FFFF  }
0xad: {  	[dreg:$0x1] =	wrdreg $0xFFFFFFFF  }
0xae: {  	[dreg:$0x0] =	wrdreg $0x60  }
0xaf: {  	[dreg:$0x2] =	wrdreg s24  }
0xb0: {  	[dreg:$0x3] =	wrdreg s2  }
0xb1: {  	[dreg:$0x4] =	wrdreg s18  }
0xb2: {  	[dreg:$0x5] =	wrdreg $0x9  }
0xb3: {  	_ =	task.clear_ibuf [dreg:s8], $0x6FFFF;
	_ =	strace $0x90000046  }
0xb4: {  	s29 =	simm.s32 $0x9;
	_ =	strace $0x80000048  }
0xb5: {  	_ =	swait.ge [sflag:s29], $0x1  }
0xb6: {  	[sflag:s29] =	ssyncadd.s32 $0xFFFFFFFF  }
0xb7: {  	_ =	strace $0x90000048  }
0xb8: {  	_ =	sfence  }
0xb9: {  	s30 =	sld [smem:$0x0];
	_ =	sdelay $0x2  }
0xba: {  	s31 =	sshll.u32 s1, $0xD;
	s1 =	sshrl.u32 s1, $0x2  }
0xbb: {  	s3 =	sand.u32 $0x4000, s31;
	s1 =	sadd.s32 s1, s30  }
0xbc: {  	s0 =	sor.u32 s3, s0;
	s1 =	sshll.u32 s1, $0x11  }
0xbd: {  	s0 =	sor.u32 s1, s0  }
0xbe: {  	s0 =	sadd.s32 $0x8F2B, s0  }
0xbf: {  	[sflag:s0] =	ssyncadd.remote.s32 $0x1  }
0xc0: {  	_ =	sfence.sel $0xFFFF  }
0xc1: {  	[dreg:$0x0] =	wrdreg $0xFFFFFFFF;
	(pc) =	sbr.abs _section_cstart, $3  }
0xc2: {  	[dreg:$0x1] =	wrdreg $0xFFFFFFFF  }
0xc3: {  	_ =	task.clear_ibuf [dreg:s8], $0x2FFFF;
	_ =	strace $0x9FFFFFFF  }
0xc4: {  	(tm) =	ssettm $0x7FFFFFFF  }
0xc5: {  	_ =	shalt  }
tec
execute0_lowered:
.L_overlay_start_1:
0x0: {  	(tag) =	ssettag $0x1  }
0x1: {  	s10 =	rddreg [dreg:$0x0]  }
0x2: {  	s1 =	rddreg [dreg:$0x1]  }
0x3: {  	s2 =	rddreg [dreg:$0x2]  }
0x4: {  	s0 =	rddreg [dreg:$0x3]  }
0x5: {  	s3 =	simm.s32 $0x0;
	s6 =	srdreg.scid;
	s15 =	simm.s32 $0x1C00  }
0x6: {  	s16 =	simm.s32 $0x32;
	s17 =	simm.s32 $0x1C40;
	s18 =	simm.s32 $0x1  }
0x7: {  	s19 =	simm.s32 $0x40;
	s20 =	simm.s32 $0x28C0;
	s21 =	simm.s32 $0x2  }
0x8: {  	s22 =	simm.s32 $0x38C0;
	s23 =	simm.s32 $0x0;
	[smem:$0x7FF] =	sst s3  }
0x9: {  	s4 =	sadd.s32 $0x39600, s10;
	s5 =	sadd.s32 $0x41600, s10;
	s7 =	sadd.s32 $0xF43A00, s10  }
0xa: {  	s8 =	sadd.s32 $0x1D600, s10;
	s11 =	sand.u32 $0x1, s6;
	s9 =	sadd.s32 $0x1600, s10  }
0xb: {  	s6 =	stileid.u32;
	s10 =	sadd.s32 $0x45600, s10;
	s12 =	ssub.s32 $0x2, s11  }
0xc: {  	s14 =	sshll.u32 s6, $0xA;
	s11 =	sshll.u32 s11, $0x9;
	s13 =	sshrl.u32 s12, $0x1  }
0xd: {  	_ =	strace $0x80000047;
	s11 =	sor.u32 s11, s14;
	s12 =	ssub.s32 s12, s13  }
0xe: {  	s14 =	simm.s32 $0xE00;
	s13 =	simm.s32 $0x3;
	s12 =	smax.u32 s12, $0x1  }
.LBB2_1:
0xf: {  	s24 =	simm.s32 $0x0  }
.LBB2_2:
0x10: {  	s25 =	sshll.u32 s24, $0x6  }
0x11: {  	s25 =	sadd.s32 s11, s25  }
0x12: {  	s28 =	smul.u32 $0x7, s25;
	_ =	sdelay $0x1  }
0x13: {  	s26 =	simm.s32 $0x0;
	s29 =	sadd.s32 s8, s28  }
0x14: {  	[tilespmem:s26], [sflag:$0x3] =	stream.linear.gather [hbm4b:s29+s26], $0xE00, $0x38;
	[tilespmem:$0x58C0] =	vst v63  }
0x15: {  	_ =	swait.ge [sflag:s13], $0xE00  }
0x16: {  	[sflag:s13] =	ssyncset.done $0x0  }
0x17: {  	s28 =	sadd.s32 s9, s28;
	[sflag:s13] =	ssyncadd.s32 $0xFFFFF200  }
0x18: {  	[tilespmem:s14], [sflag:$0x3] =	stream.linear.gather [hbm4b:s28+s26], $0xE00, $0x38;
	[tilespmem:$0x58C0] =	vst v63  }
0x19: {  	_ =	swait.ge [sflag:s13], $0xE00  }
0x1a: {  	s31 =	sshrl.u32 s25, $0x3;
	[sflag:s13] =	ssyncset.done $0x0  }
0x1b: {  	s28 =	sadd.s32 s1, s31;
	[sflag:s13] =	ssyncadd.s32 $0xFFFFF200  }
0x1c: {  	[tilespmem:s15], [sflag:$0x3] =	stream.linear.gather [hbm4b:s28+s26], $0x40, $0x38;
	[tilespmem:$0x58C0] =	vst v63  }
0x1d: {  	_ =	swait.ge [sflag:s13], $0x40  }
0x1e: {  	[sflag:s13] =	ssyncset.done $0x0  }
0x1f: {  	[sflag:s13] =	ssyncadd.s32 $0xFFFFFFC0  }
.LBB2_3:
0x20: {  	s29 =	smul.u32 $0x38, s26;
	_ =	sdelay $0x1  }
0x21: {  	[tilespmem:s17], [sflag:$0x1] =	stream.indirect.gather [hbm4b:s4+s16], $0x40, s29, s16, $0xb8;
	[tilespmem:$0x58C0] =	vst v63  }
0x22: {  	_ =	swait.ge [sflag:s18], $0xC80  }
0x23: {  	[sflag:s18] =	ssyncset.done $0x0  }
0x24: {  	s30 =	simm.s32 $0x0;
	[sflag:s18] =	ssyncadd.s32 $0xFFFFF380  }
0x25: {  	v1 =	vld [tilespmem:s30+$0x1C70]  }
0x26: {  	v2 =	vld [tilespmem:s30+$0x1C40]  }
0x27: {  	v0 =	vimm.f32 $0.0e+00;
	v3 =	vld [tilespmem:s30+$0x1C50]  }
0x28: {  	s28 =	simm.s32 $0x100;
	v5 =	vimm.f32 $0.0e+00;
	v6 =	vimm.f32 $0.0e+00;
	v7 =	vimm.f32 $0.0e+00;
	v4 =	vld [tilespmem:s30+$0x1C60]  }
.LBB2_4:
0x29: {  	p0 =	sne.s32 s28, $0x3100  }
.Ltmp0:
0x2a: {  	s30 =	sshra.s32 s28, $0x2;
	s28 =	sadd.s32 $0x100, s28;
	v0 =	vadd.f32 v1, v0;
	(pc) =	sbr.rel @p0 .LBB2_4-.Ltmp0, $4  }
0x2b: {  	v1 =	vld [tilespmem:s30+$0x1C70];
	v5 =	vadd.f32 v2, v5  }
0x2c: {  	v2 =	vld [tilespmem:s30+$0x1C40];
	v6 =	vadd.f32 v3, v6  }
0x2d: {  	v3 =	vld [tilespmem:s30+$0x1C50];
	v7 =	vadd.f32 v4, v7  }
0x2e: {  	v4 =	vld [tilespmem:s30+$0x1C60]  }
0x2f: {  	_ = 	snop  }
0x30: {  	v0 =	vadd.f32 v1, v0  }
0x31: {  	v2 =	vadd.f32 v2, v5  }
0x32: {  	s28 =	sshll.u32 s26, $0x7;
	v3 =	vadd.f32 v3, v6;
	v0 =	vmul.f32 $1.999999960e-02, v0  }
0x33: {  	s28 =	sand.u32 $0x3FFFFF80, s28;
	v4 =	vadd.f32 v4, v7;
	v2 =	vmul.f32 $1.999999960e-02, v2  }
0x34: {  	v1 =	vmul.f32 $1.999999960e-02, v3;
	[tilespmem:s28+$0x38F0] =	vst v0  }
0x35: {  	[tilespmem:s28+$0x38C0] =	vst v2;
	v2 =	vmul.f32 $1.999999960e-02, v4  }
0x36: {  	[tilespmem:s28+$0x38D0] =	vst v1  }
0x37: {  	s29 =	sadd.s32 $0xE00, s29;
	[tilespmem:s28+$0x38E0] =	vst v2  }
0x38: {  	[tilespmem:s17], [sflag:$0x1] =	stream.indirect.gather [hbm4b:s5+s16], $0x40, s29, s16, $0xb8;
	[tilespmem:$0x58C0] =	vst v63  }
0x39: {  	_ =	swait.ge [sflag:s18], $0xC80  }
0x3a: {  	[sflag:s18] =	ssyncset.done $0x0  }
0x3b: {  	s30 =	simm.s32 $0x0;
	[sflag:s18] =	ssyncadd.s32 $0xFFFFF380  }
0x3c: {  	v1 =	vld [tilespmem:s30+$0x1C70]  }
0x3d: {  	v2 =	vld [tilespmem:s30+$0x1C40]  }
0x3e: {  	v5 =	vimm.f32 $0.0e+00;
	v3 =	vld [tilespmem:s30+$0x1C50]  }
0x3f: {  	v6 =	vimm.f32 $0.0e+00;
	v7 =	vimm.f32 $0.0e+00;
	v0 =	vimm.f32 $0.0e+00;
	s29 =	simm.s32 $0x100;
	v4 =	vld [tilespmem:s30+$0x1C60]  }
.LBB2_6:
0x40: {  	p0 =	sne.s32 s29, $0x3100  }
.Ltmp1:
0x41: {  	s30 =	sshra.s32 s29, $0x2;
	s29 =	sadd.s32 $0x100, s29;
	v0 =	vadd.f32 v1, v0;
	(pc) =	sbr.rel @p0 .LBB2_6-.Ltmp1, $4  }
0x42: {  	v1 =	vld [tilespmem:s30+$0x1C70];
	v5 =	vadd.f32 v2, v5  }
0x43: {  	v2 =	vld [tilespmem:s30+$0x1C40];
	v6 =	vadd.f32 v3, v6  }
0x44: {  	v3 =	vld [tilespmem:s30+$0x1C50];
	v7 =	vadd.f32 v4, v7  }
0x45: {  	v4 =	vld [tilespmem:s30+$0x1C60]  }
0x46: {  	_ = 	snop  }
0x47: {  	v0 =	vadd.f32 v1, v0  }
0x48: {  	s26 =	sadd.s32 $0x1, s26;
	v2 =	vadd.f32 v2, v5  }
0x49: {  	p0 =	sne.s32 s26, $0x40;
	v3 =	vadd.f32 v3, v6;
	v0 =	vmul.f32 $1.999999960e-02, v0  }
.Ltmp2:
0x4a: {  	v4 =	vadd.f32 v4, v7;
	v2 =	vmul.f32 $1.999999960e-02, v2;
	(pc) =	sbr.rel @p0 .LBB2_3-.Ltmp2, $4  }
0x4b: {  	v62 =	vmul.f32 $1.999999960e-02, v3;
	[tilespmem:s28+$0x3930] =	vst v0  }
0x4c: {  	[tilespmem:s28+$0x3900] =	vst v2;
	v63 =	vmul.f32 $1.999999960e-02, v4  }
0x4d: {  	[tilespmem:s28+$0x3910] =	vst v62  }
0x4e: {  	[tilespmem:s28+$0x3920] =	vst v63  }
0x4f: {  	[tilespmem:s20], [sflag:$0x2] =	stream.indirect.gather [hbm4b:s7+s19], $0x40, s15, s19, $0xb8;
	[tilespmem:$0x58C0] =	vst v63  }
0x50: {  	_ =	swait.ge [sflag:s21], $0x1000  }
0x51: {  	s26 =	sshll.u32 s25, $0x4;
	[sflag:s21] =	ssyncset.done $0x0  }
0x52: {  	s26 =	sadd.s32 s2, s26;
	[sflag:s21] =	ssyncadd.s32 $0xFFFFF000  }
0x53: {  	[hbm4b:s26+s3] =	stream.linear.scatter [tilespmem:s22], [sflag:$0x3], $0x2000, $0x38;
	[tilespmem:$0x58C0] =	vst v63  }
0x54: {  	s24 =	sadd.s32 $0x1, s24;
	_ =	swait.ge [sflag:s13], $0x2000  }
0x55: {  	s31 =	sshll.u32 s25, $0x3;
	p0 =	sne.s32 s24, $0x8;
	[sflag:s13] =	ssyncset.done $0x0  }
.Ltmp3:
0x56: {  	s25 =	sadd.s32 s10, s31;
	[sflag:s13] =	ssyncadd.s32 $0xFFFFE000;
	(pc) =	sbr.rel @p0 .LBB2_2-.Ltmp3, $4  }
0x57: {  	[hbm4b:s25+s3] =	stream.linear.scatter [tilespmem:s20], [sflag:$0x3], $0x1000, $0x38;
	[tilespmem:$0x58C0] =	vst v63  }
0x58: {  	_ =	swait.ge [sflag:s13], $0x1000  }
0x59: {  	[sflag:s13] =	ssyncset.done $0x0  }
0x5a: {  	[sflag:s13] =	ssyncadd.s32 $0xFFFFF000  }
0x5b: {  	s23 =	sadd.s32 $0x1, s23  }
0x5c: {  	p0 =	sne.s32 s23, s12  }
.Ltmp4:
0x5d: {  	_ = 	snop;
	(pc) =	sbr.rel @p0 .LBB2_1-.Ltmp4, $1  }
0x5e: {  	_ =	sdelay $0x3  }
0x5f: {  	_ =	sfence.sel $0x180000  }
0x60: {  	[bflag:$0x0] =	sbarrier.arrive $0xFFFF  }
0x61: {  	p0 =	sne.s32 s6, $0x0;
	_ =	strace $0x90000047  }
0x62: {  	s0 =	sadd.s32 @!p0 $0x100000, s0;
	[bflag:$0x2] =	sbarrier.arrive $0xFFFF  }
0x63: {  	[sflag:s0] =	ssyncadd.tile.s32 @!p0 $0x1;
	_ =	shalt  }
.Lfunc_end2:
_tile_overlayer_lowered:
.L_overlay_start_2:
0x64: {  	(tag) =	ssettag $0x2  }
0x65: {  	s0 =	rddreg [dreg:$0x0];
	s2 =	stileid.u32  }
0x66: {  	s1 =	rddreg [dreg:$0x1];
	p0 =	sne.s32 s2, $0x0  }
0x67: {  	s3 =	rddreg [dreg:$0x2];
	[bflag:$0x3] =	sbarrier.arrive $0xFFFF;
	s2 =	simm.s32 @!p0 $0x1C03  }
0x68: {  	[timem:s3], [sflag:s2] =	dma.local @!p0 [hbm:s0], s1  }
0x69: {  	s0 =	simm.s32 @!p0 $0x3  }
0x6a: {  	_ =	swait.ge @!p0 [sflag:s0], s1  }
0x6b: {  	s1 =	ssub.s32 @!p0 $0x0, s1;
	[sflag:s0] =	ssyncset.done @!p0 $0x0  }
0x6c: {  	[sflag:s0] =	ssyncadd.s32 @!p0 s1  }
0x6d: {  	[bflag:$0x3] =	sbarrier.arrive $0xFFFF  }
0x6e: {  	_ =	shalt  }

</sc_bundles>
